<compile_context>
chip_gen: v7x
topology: tpu7x:2x2x1
jax: 0.10.2.dev20260603
libtpu: 0.0.44.dev20260713+nightly
codegen_flags: <defaults>
</compile_context>

<pallas_src>
import jax
import jax.numpy as jnp
from jax import lax
from jax.experimental import pallas as pl
from jax.experimental.pallas import tpu as pltpu
from jax.experimental.pallas import tpu_sc as plsc

N_PATCHES = 576
DIM = 768
BATCH = 128

_B = BATCH * N_PATCHES
_NC = 2
_NS = 16
_NW = _NC * _NS
_BPW = _B // _NW
_C = 64
_NCHUNK = _BPW // _C


def _body(table_hbm, idx_hbm, out_hbm, idx_v, buf0, buf1, gsem):
    wid = lax.axis_index("s") * _NC + lax.axis_index("c")
    base = wid * _BPW
    pltpu.sync_copy(idx_hbm.at[pl.ds(base, _BPW)], idx_v)

    @pl.loop(0, _NCHUNK, step=2)
    def _pair(i):
        pltpu.async_copy(table_hbm.at[idx_v.at[pl.ds(i * _C, _C)]], buf0, gsem)
        pltpu.async_copy(table_hbm.at[idx_v.at[pl.ds((i + 1) * _C, _C)]],
                         buf1, gsem)
        pltpu.make_async_copy(table_hbm.at[idx_v.at[pl.ds(0, _C)]], buf0,
                              gsem).wait()
        pltpu.make_async_copy(table_hbm.at[idx_v.at[pl.ds(0, _C)]], buf1,
                              gsem).wait()

    pltpu.sync_copy(buf0, out_hbm.at[pl.ds(base, _C)])


@jax.jit
def _lookup(table, idx_flat):
    mesh = plsc.VectorSubcoreMesh(core_axis_name="c", subcore_axis_name="s")
    return pl.kernel(
        _body,
        out_type=jax.ShapeDtypeStruct((_B, DIM), jnp.float32),
        mesh=mesh,
        scratch_types=[
            pltpu.VMEM((_BPW,), jnp.int32),
            pltpu.VMEM((_C, DIM), jnp.float32),
            pltpu.VMEM((_C, DIM), jnp.float32),
            pltpu.SemaphoreType.DMA,
        ],
    )(table, idx_flat)


def kernel(x, table):
    idx_flat = x.astype(jnp.int32).reshape(_NW, _BPW)
    idx_flat = jnp.sort(idx_flat, axis=1).reshape(_B)
    out = _lookup(table, idx_flat)
    return out.reshape(BATCH, N_PATCHES, DIM)

# --- scband reference (transcript-rebuilt; emitter-appended) ---
"""Pipeline reference for scband-patch-encoding-81801947120399 (READ-ONLY COPY).

The authoritative reference and input builder live on the scoring server;
editing this copy changes nothing except your own understanding.
"""

import jax, jax.numpy as jnp
import numpy as np

N_PATCHES = 576
DIM = 768
BATCH = 128

def setup_inputs(seed: int = 0) -> dict:
    key = jax.random.key(seed)
    k1, k2 = jax.random.split(key)
    x = jax.random.randint(k1, (BATCH, N_PATCHES), 0, N_PATCHES, dtype=jnp.int64 if jax.config.jax_enable_x64 else jnp.int32)
    table = jax.random.normal(k2, (N_PATCHES, DIM), dtype=jnp.float32)
    return {"x": x, "table": table}

def reference(x, table):
    # nn.Embedding forward: row gather from the embedding table
    return jnp.take(table, x, axis=0)

if __name__ == "__main__":
    import jax
    _d = setup_inputs()
    print(jax.jit(kernel)(*tuple(_d.values())))

</pallas_src>

<mosaic_0001>
#map = affine_map<(d0, d1) -> (0, 0)>
#map1 = affine_map<(d0, d1) -> (0)>
module attributes {stable_mosaic.version = 14 : i64} {
  func.func @_body(%arg0: i32, %arg1: i32, %arg2: memref<576x768xf32, #tpu.memory_space<hbm>>, %arg3: memref<73728xi32, #tpu.memory_space<hbm>>, %arg4: memref<73728x768xf32, #tpu.memory_space<hbm>>, %arg5: memref<2304xi32, #tpu.memory_space<vmem>>, %arg6: memref<64x768xf32, #tpu.memory_space<vmem>>, %arg7: memref<64x768xf32, #tpu.memory_space<vmem>>, %arg8: memref<!tpu.dma_semaphore, #tpu.memory_space<semaphore_mem>>) attributes {dimension_semantics = [#tpu.dimension_semantics<core_parallel>, #tpu.dimension_semantics<subcore_parallel>], iteration_bounds = array<i64: 2, 16>, scalar_prefetch = 0 : i64, scratch_operands = 4 : i64, tpu.core_type = #tpu.core_type<sc_vector_subcore>, window_params = [{transform_indices = #map}, {transform_indices = #map1}, {transform_indices = #map}]} {
    %mul3A = arith.constant 2 : i32
    %mul3A_0 = arith.muli %arg1, %mul3A : i32
    %add3A = arith.addi %mul3A_0, %arg0 : i32
    %mul3A_1 = arith.constant 2304 : i32
    %mul3A_2 = arith.muli %add3A, %mul3A_1 : i32
    "tpu.region"() ({
      %run_scoped3A = tpu.sem_alloc : memref<!tpu.dma_semaphore, #tpu.memory_space<semaphore_mem>>
      %dma_start3A = tpu.memref_slice %arg3[%mul3A_2] : memref<73728xi32, #tpu.memory_space<hbm>> -> memref<2304xi32, #tpu.memory_space<hbm>>
      %dma_start3A_7 = tpu.memref_slice %arg3[%mul3A_2] : memref<73728xi32, #tpu.memory_space<hbm>> -> memref<2304xi32, #tpu.memory_space<hbm>>
      tpu.enqueue_dma source(%dma_start3A_7 : memref<2304xi32, #tpu.memory_space<hbm>>) target(%arg5 : memref<2304xi32, #tpu.memory_space<vmem>>) target_semaphore(%run_scoped3A : memref<!tpu.dma_semaphore, #tpu.memory_space<semaphore_mem>>)
      %dma_wait3A = tpu.memref_slice %arg3[%mul3A_2] : memref<73728xi32, #tpu.memory_space<hbm>> -> memref<2304xi32, #tpu.memory_space<hbm>>
      %dma_wait3A_8 = tpu.memref_slice %arg3[%mul3A_2] : memref<73728xi32, #tpu.memory_space<hbm>> -> memref<2304xi32, #tpu.memory_space<hbm>>
      tpu.wait_dma2 semaphore(%run_scoped3A : memref<!tpu.dma_semaphore, #tpu.memory_space<semaphore_mem>>) src(%dma_wait3A_8 : memref<2304xi32, #tpu.memory_space<hbm>>) dst(%arg5 : memref<2304xi32, #tpu.memory_space<vmem>>)
      tpu.yield
    }) : () -> ()
    %scan3A = arith.constant 0 : i32
    %scan3A_3 = arith.constant 18 : i32
    %scan3A_4 = arith.addi %scan3A, %scan3A_3 : i32
    %scan3A_5 = arith.constant 1 : i32
    scf.for %scan3A_7 = %scan3A to %scan3A_4 step %scan3A_5  : i32 {
      %mul3A_8 = arith.constant 2 : i32
      %mul3A_9 = arith.muli %scan3A_7, %mul3A_8 : i32
      %add3A_10 = arith.constant 0 : i32
      %add3A_11 = arith.addi %add3A_10, %mul3A_9 : i32
      %mul3A_12 = arith.constant 64 : i32
      %mul3A_13 = arith.muli %add3A_11, %mul3A_12 : i32
      %dma_start3A = tpu.memref_slice %arg5[%mul3A_13] : memref<2304xi32, #tpu.memory_space<vmem>> -> memref<64xi32, #tpu.memory_space<vmem>>
      %dma_start3A_14 = arith.constant 0 : i32
      %dma_start3A_15 = arith.constant 0 : i32
      %dma_start3A_16 = tpu.memref_slice %arg2[%dma_start3A_14, %dma_start3A_15] : memref<576x768xf32, #tpu.memory_space<hbm>> -> memref<576x768xf32, #tpu.memory_space<hbm>>
      tpu.enqueue_indirect_dma source(%dma_start3A_16 : memref<576x768xf32, #tpu.memory_space<hbm>>) target(%arg6 : memref<64x768xf32, #tpu.memory_space<vmem>>) offsets(%dma_start3A : memref<64xi32, #tpu.memory_space<vmem>>) semaphore(%arg8 : memref<!tpu.dma_semaphore, #tpu.memory_space<semaphore_mem>>)
      %add3A_17 = arith.constant 1 : i32
      %add3A_18 = arith.addi %add3A_11, %add3A_17 : i32
      %mul3A_19 = arith.constant 64 : i32
      %mul3A_20 = arith.muli %add3A_18, %mul3A_19 : i32
      %dma_start3A_21 = tpu.memref_slice %arg5[%mul3A_20] : memref<2304xi32, #tpu.memory_space<vmem>> -> memref<64xi32, #tpu.memory_space<vmem>>
      %dma_start3A_22 = arith.constant 0 : i32
      %dma_start3A_23 = arith.constant 0 : i32
      %dma_start3A_24 = tpu.memref_slice %arg2[%dma_start3A_22, %dma_start3A_23] : memref<576x768xf32, #tpu.memory_space<hbm>> -> memref<576x768xf32, #tpu.memory_space<hbm>>
      tpu.enqueue_indirect_dma source(%dma_start3A_24 : memref<576x768xf32, #tpu.memory_space<hbm>>) target(%arg7 : memref<64x768xf32, #tpu.memory_space<vmem>>) offsets(%dma_start3A_21 : memref<64xi32, #tpu.memory_space<vmem>>) semaphore(%arg8 : memref<!tpu.dma_semaphore, #tpu.memory_space<semaphore_mem>>)
      %dma_wait3A = arith.constant 0 : i32
      %dma_wait3A_25 = tpu.memref_slice %arg5[%dma_wait3A] : memref<2304xi32, #tpu.memory_space<vmem>> -> memref<64xi32, #tpu.memory_space<vmem>>
      %dma_wait3A_26 = arith.constant 0 : i32
      %dma_wait3A_27 = arith.constant 0 : i32
      %dma_wait3A_28 = tpu.memref_slice %arg2[%dma_wait3A_26, %dma_wait3A_27] : memref<576x768xf32, #tpu.memory_space<hbm>> -> memref<576x768xf32, #tpu.memory_space<hbm>>
      tpu.wait_indirect_dma semaphore(%arg8 : memref<!tpu.dma_semaphore, #tpu.memory_space<semaphore_mem>>) src(%dma_wait3A_28 : memref<576x768xf32, #tpu.memory_space<hbm>>) dst(%arg6 : memref<64x768xf32, #tpu.memory_space<vmem>>)
      %dma_wait3A_29 = arith.constant 0 : i32
      %dma_wait3A_30 = tpu.memref_slice %arg5[%dma_wait3A_29] : memref<2304xi32, #tpu.memory_space<vmem>> -> memref<64xi32, #tpu.memory_space<vmem>>
      %dma_wait3A_31 = arith.constant 0 : i32
      %dma_wait3A_32 = arith.constant 0 : i32
      %dma_wait3A_33 = tpu.memref_slice %arg2[%dma_wait3A_31, %dma_wait3A_32] : memref<576x768xf32, #tpu.memory_space<hbm>> -> memref<576x768xf32, #tpu.memory_space<hbm>>
      tpu.wait_indirect_dma semaphore(%arg8 : memref<!tpu.dma_semaphore, #tpu.memory_space<semaphore_mem>>) src(%dma_wait3A_33 : memref<576x768xf32, #tpu.memory_space<hbm>>) dst(%arg7 : memref<64x768xf32, #tpu.memory_space<vmem>>)
    }
    %scan3A_6 = arith.constant 18 : i32
    "tpu.region"() ({
      %run_scoped3A = tpu.sem_alloc : memref<!tpu.dma_semaphore, #tpu.memory_space<semaphore_mem>>
      %dma_start3A = arith.constant 0 : i32
      %dma_start3A_7 = tpu.memref_slice %arg4[%mul3A_2, %dma_start3A] : memref<73728x768xf32, #tpu.memory_space<hbm>> -> memref<64x768xf32, #tpu.memory_space<hbm>>
      %dma_start3A_8 = arith.constant 0 : i32
      %dma_start3A_9 = tpu.memref_slice %arg4[%mul3A_2, %dma_start3A_8] : memref<73728x768xf32, #tpu.memory_space<hbm>> -> memref<64x768xf32, #tpu.memory_space<hbm>>
      tpu.enqueue_dma source(%arg6 : memref<64x768xf32, #tpu.memory_space<vmem>>) target(%dma_start3A_9 : memref<64x768xf32, #tpu.memory_space<hbm>>) target_semaphore(%run_scoped3A : memref<!tpu.dma_semaphore, #tpu.memory_space<semaphore_mem>>)
      %dma_wait3A = arith.constant 0 : i32
      %dma_wait3A_10 = tpu.memref_slice %arg4[%mul3A_2, %dma_wait3A] : memref<73728x768xf32, #tpu.memory_space<hbm>> -> memref<64x768xf32, #tpu.memory_space<hbm>>
      %dma_wait3A_11 = arith.constant 0 : i32
      %dma_wait3A_12 = tpu.memref_slice %arg4[%mul3A_2, %dma_wait3A_11] : memref<73728x768xf32, #tpu.memory_space<hbm>> -> memref<64x768xf32, #tpu.memory_space<hbm>>
      tpu.wait_dma2 semaphore(%run_scoped3A : memref<!tpu.dma_semaphore, #tpu.memory_space<semaphore_mem>>) src(%arg6 : memref<64x768xf32, #tpu.memory_space<vmem>>) dst(%dma_wait3A_12 : memref<64x768xf32, #tpu.memory_space<hbm>>)
      tpu.yield
    }) : () -> ()
    return
  }
}

</mosaic_0001>

<sc_bundles>
// kernel: _lookup.3.cloned.1.call-start
scs
__scs_entry_jumppad:
0x0: {  	(pc) =	sbr.rel $0x88, $3  }
0x1: {  	(tag) =	ssettag $0x0;
	lr =	simm.s32 $0x1  }
0x2: {  	[smem:$0x3F9F] =	sst lr;
	_ =	strace $0xD0000000  }
0x3: {  	_ = 	snop  }
0x4: {  	_ = 	snop  }
0x5: {  	_ = 	snop  }
0x6: {  	_ = 	snop  }
0x7: {  	_ = 	snop  }
__scs_overlays_trampoline_lowered:
0x8: {  	[smem:$0x3FAE] =	sst s0  }
0x9: {  	[smem:$0x3FAF] =	sst s1  }
0xa: {  	[smem:$0x3FB0] =	sst s2  }
0xb: {  	[smem:$0x3FB1] =	sst s3  }
0xc: {  	[smem:$0x3FB2] =	sst s4  }
0xd: {  	[smem:$0x3FB3] =	sst s5  }
0xe: {  	[smem:$0x3FB4] =	sst s6  }
0xf: {  	[smem:$0x3FB5] =	sst s7  }
0x10: {  	[smem:$0x3FB6] =	sst s8  }
0x11: {  	[smem:$0x3FB7] =	sst s9;
	s0 =	simm.s32 @!p0 $0x0  }
0x12: {  	s1 =	sld [smem:$0x3F9D];
	s0 =	simm.s32 @p0 $0x1  }
0x13: {  	[smem:$0x3FB8] =	sst s0;
	s0 =	simm.s32 @!p1 $0x0  }
0x14: {  	s2 =	sld [smem:$0x3F9C];
	s0 =	simm.s32 @p1 $0x1  }
0x15: {  	[smem:$0x3FB9] =	sst s0;
	s0 =	simm.s32 @!p2 $0x0  }
0x16: {  	s3 =	sld [smem:$0x3FDB];
	s0 =	simm.s32 @p2 $0x1  }
0x17: {  	s4 =	simm.s32 $0x1BF5;
	[smem:$0x3FBB] =	sst s0  }
0x18: {  	s0 =	sld [smem:$0x3F9E];
	_ =	swait.ge [sflag:s4], $0x0  }
0x19: {  	s7 =	sld [smem:$0x3F9F]  }
0x1a: {  	s8 =	sadd.s32 $0xFFFFE003, lr  }
0x1b: {  	s9 =	sadd.s32 $0xFFFFFEF7, lr;
	s5 =	simm.s32 $0xFFFFFFFF;
	p2 =	slt.u32 s8, $0xFFFFF086  }
0x1c: {  	p1 =	slt.u32 s9, $0xF7A;
	s5 =	simm.s32 @!p2 $0x0  }
0x1d: {  	s5 =	simm.s32 @p1 $0x1;
	p0 =	seq.s32 s7, s2  }
0x1e: {  	s7 =	smul.u32 @!p0 $0xF7A, s2;
	p2 =	seq.s32 @!p0 s5, $0x0  }
0x1f: {  	s9 =	smul.u32 $0xF7A, s1;
	s8 =	simm.s32 @!p0 $0x1BF5;
	p2 =	por !p2, p0  }
0x20: {  	[sflag:s8] =	ssyncset.s32 @!p0 $0xFFFFF086;
	s6 =	sadd.s32 @!p0 s3, s7;
	s7 =	simm.s32 @!p0 $0x108  }
0x21: {  	s3 =	sadd.s32 s3, s9;
	s6 =	sadd.s32 @!p0 $0x88, s6;
	s7 =	simm.s32 @p2 $0x1082  }
0x22: {  	[simem:s7], [sflag:s8] =	dma.local @!p0 [hbm:s6], $0xF7A  }
0x23: {  	s9 =	sor.u32 $0xD0000000, s2;
	s6 =	simm.s32 $0x108;
	_ =	swait.ge @!p0 [sflag:s8], $0x0  }
0x24: {  	s3 =	sadd.s32 $0x88, s3;
	s6 =	simm.s32 @!p1 $0x1082;
	[sflag:s4] =	ssyncset.s32 $0xFFFFF086  }
0x25: {  	[simem:s6], [sflag:s4] =	dma.local [hbm:s3], $0xF7A  }
0x26: {  	[smem:$0x3F9F] =	sst s1;
	(tag) =	ssettag s2;
	_ =	strace s9  }
0x27: {  	s1 =	sld [smem:$0x3FAF]  }
0x28: {  	s2 =	sld [smem:$0x3FB0]  }
0x29: {  	s4 =	sld [smem:$0x3FB2]  }
0x2a: {  	p0 =	seq.s32 s5, $0x0;
	s5 =	sld [smem:$0x3FB3]  }
0x2b: {  	s6 =	sld [smem:$0x3FB4]  }
0x2c: {  	s7 =	sld [smem:$0x3FB5]  }
0x2d: {  	s3 =	simm.s32 $0x108;
	s8 =	sld [smem:$0x3FB6]  }
0x2e: {  	s3 =	simm.s32 @!p0 $0x1082;
	s9 =	sld [smem:$0x3FB7]  }
0x2f: {  	lr =	sadd.s32 s0, s3;
	s0 =	sld [smem:$0x3FAE]  }
0x30: {  	s3 =	sld [smem:$0x3FB1]  }
0x31: {  	[smem:$0x3FBA] =	sst s10  }
0x32: {  	s10 =	sld [smem:$0x3FB8];
	_ =	sdelay $0x3  }
0x33: {  	p0 =	seq.s32 s10, $0x1;
	s10 =	sld [smem:$0x3FBA];
	_ =	sdelay $0x3  }
0x34: {  	[smem:$0x3FBA] =	sst s10  }
0x35: {  	s10 =	sld [smem:$0x3FB9];
	_ =	sdelay $0x3  }
0x36: {  	p1 =	seq.s32 s10, $0x1;
	s10 =	sld [smem:$0x3FBA];
	_ =	sdelay $0x3  }
0x37: {  	[smem:$0x3FBA] =	sst s10  }
0x38: {  	s10 =	sld [smem:$0x3FBB]  }
0x39: {  	_ = 	snop;
	(pc) =	sbr.ind lr, $3  }
0x3a: {  	_ = 	snop  }
0x3b: {  	_ = 	snop  }
0x3c: {  	p2 =	seq.s32 s10, $0x1;
	s10 =	sld [smem:$0x3FBA]  }
0x3d: {  	_ =	shalt  }
0x3e: {  	_ =	shalt  }
0x3f: {  	_ =	shalt  }
0x40: {  	_ =	shalt  }
0x41: {  	_ =	shalt  }
0x42: {  	_ =	shalt  }
0x43: {  	_ =	shalt  }
0x44: {  	_ =	shalt  }
0x45: {  	_ =	shalt  }
0x46: {  	_ =	shalt  }
0x47: {  	_ =	shalt  }
0x48: {  	_ =	shalt  }
0x49: {  	_ =	shalt  }
0x4a: {  	_ =	shalt  }
0x4b: {  	_ =	shalt  }
0x4c: {  	_ =	shalt  }
0x4d: {  	_ =	shalt  }
0x4e: {  	_ =	shalt  }
0x4f: {  	_ =	shalt  }
0x50: {  	_ =	shalt  }
0x51: {  	_ =	shalt  }
0x52: {  	_ =	shalt  }
0x53: {  	_ =	shalt  }
0x54: {  	_ =	shalt  }
0x55: {  	_ =	shalt  }
0x56: {  	_ =	shalt  }
0x57: {  	_ =	shalt  }
0x58: {  	_ =	shalt  }
0x59: {  	_ =	shalt  }
0x5a: {  	_ =	shalt  }
0x5b: {  	_ =	shalt  }
0x5c: {  	_ =	shalt  }
0x5d: {  	_ =	shalt  }
0x5e: {  	_ =	shalt  }
0x5f: {  	_ =	shalt  }
0x60: {  	_ =	shalt  }
0x61: {  	_ =	shalt  }
0x62: {  	_ =	shalt  }
0x63: {  	_ =	shalt  }
0x64: {  	_ =	shalt  }
0x65: {  	_ =	shalt  }
0x66: {  	_ =	shalt  }
0x67: {  	_ =	shalt  }
0x68: {  	_ =	shalt  }
0x69: {  	_ =	shalt  }
0x6a: {  	_ =	shalt  }
0x6b: {  	_ =	shalt  }
0x6c: {  	_ =	shalt  }
0x6d: {  	_ =	shalt  }
0x6e: {  	_ =	shalt  }
0x6f: {  	_ =	shalt  }
0x70: {  	_ =	shalt  }
0x71: {  	_ =	shalt  }
0x72: {  	_ =	shalt  }
0x73: {  	_ =	shalt  }
0x74: {  	_ =	shalt  }
0x75: {  	_ =	shalt  }
0x76: {  	_ =	shalt  }
0x77: {  	_ =	shalt  }
0x78: {  	_ =	shalt  }
0x79: {  	_ =	shalt  }
0x7a: {  	_ =	shalt  }
0x7b: {  	_ =	shalt  }
0x7c: {  	_ =	shalt  }
0x7d: {  	_ =	shalt  }
0x7e: {  	_ =	shalt  }
0x7f: {  	_ =	shalt  }
0x80: {  	_ =	shalt  }
0x81: {  	_ =	shalt  }
0x82: {  	_ =	shalt  }
0x83: {  	_ =	shalt  }
0x84: {  	_ =	shalt  }
0x85: {  	_ =	shalt  }
0x86: {  	_ =	shalt  }
0x87: {  	_ =	shalt  }
.Lfunc_end0:
.L_simem_size_0:
called_computation_lowered:
.L_overlay_start_0:
0x88: {  	s2 =	sld [smem:$0x3FD9]  }
0x89: {  	s3 =	sld [smem:$0x3FFE];
	_ =	sdelay $0x1  }
0x8a: {  	s1 =	srdreg.scid  }
0x8b: {  	s0 =	sand.u32 $0x1, s1  }
0x8c: {  	s18 =	sshll.u32 s0, $0xA;
	s2 =	sadd.s32 s3, s2  }
0x8d: {  	s2 =	sadd.s32 s2, s18  }
0x8e: {  	[smem:$0x3FC6] =	sst s2  }
0x8f: {  	_ = 	snop  }
0x90: {  	s2 =	sld [smem:$0x3FC9]  }
0x91: {  	s19 =	sld [smem:$0x3FC8]  }
0x92: {  	s4 =	sld [smem:$0x3FD0];
	(tm) =	ssettm $0x1  }
0x93: {  	s5 =	sld [smem:$0x3FFB];
	_ =	sdelay $0x3  }
0x94: {  	_ =	strace s5  }
0x95: {  	s5 =	sld [smem:$0x3FFC];
	_ =	sdelay $0x3  }
0x96: {  	_ =	strace s5  }
0x97: {  	s5 =	sld [smem:$0x3FFD];
	_ =	sdelay $0x3  }
0x98: {  	_ =	strace s5  }
0x99: {  	_ =	strace $0x8FFFFFFF  }
0x9a: {  	s20 =	sld [smem:$0x3FDB];
	_ =	sdelay $0x1  }
0x9b: {  	s6 =	simm.s32 $_scs_section_size  }
0x9c: {  	s7 =	simm.s32 $_size__tile_overlayer_lowered;
	s8 =	simm.s32 $_tile_overlayer_lowered  }
0x9d: {  	s23 =	simm.s32 $0x1BFF;
	s22 =	sshll.u32 s8, $0x1;
	s5 =	sadd.s32 s6, s20  }
0x9e: {  	s9 =	simm.s32 $0x0;
	s21 =	sshll.u32 s7, $0x1;
	s7 =	sadd.s32 s22, s5  }
0x9f: {  	[timem:s9], [sflag:s23] =	dma.local [hbm:s7], s21  }
0xa0: {  	_ =	swait.ge [sflag:s23], s21  }
0xa1: {  	s6 =	ssub.s32 $0x0, s21;
	[sflag:s23] =	ssyncset.done $0x0  }
0xa2: {  	[sflag:s23] =	ssyncadd.s32 s6;
	_ =	sdelay $0x1  }
0xa3: {  	s24 =	simm.s32 $0x1B8B  }
0xa4: {  	_ =	swait.ge [sflag:s24], $0x1  }
0xa5: {  	[sflag:s24] =	ssyncset.done $0x0  }
0xa6: {  	s25 =	simm.s32 $0x1B8E;
	[sflag:s24] =	ssyncadd.s32 $0xFFFFFFFF  }
0xa7: {  	s26 =	simm.s32 $execute0_lowered;
	[smem:$0x3FD2] =	sst s25  }
0xa8: {  	s6 =	sshll.u32 s26, $0x1;
	_ =	strace $0x80000046;
	[dreg:$0x1] =	wrdreg $0xFFFFFFFF  }
0xa9: {  	s28 =	simm.s32 $_size_execute0_lowered;
	s5 =	sadd.s32 s5, s6;
	[dreg:$0x0] =	wrdreg $0x0  }
0xaa: {  	s6 =	sshll.u32 s28, $0x1;
	[dreg:$0x2] =	wrdreg s5  }
0xab: {  	[dreg:$0x3] =	wrdreg s6  }
0xac: {  	[dreg:$0x4] =	wrdreg $0xC0  }
0xad: {  	_ =	task [dreg:s9], $0x5FFFF  }
0xae: {  	[dreg:$0x1] =	wrdreg $0xFFFFFFFF  }
0xaf: {  	[dreg:$0x0] =	wrdreg $0x60  }
0xb0: {  	[dreg:$0x2] =	wrdreg s2  }
0xb1: {  	[dreg:$0x3] =	wrdreg s19  }
0xb2: {  	[dreg:$0x4] =	wrdreg s4  }
0xb3: {  	[dreg:$0x5] =	wrdreg $0x9  }
0xb4: {  	_ =	task.clear_ibuf [dreg:s9], $0x6FFFF;
	_ =	strace $0x90000046  }
0xb5: {  	s29 =	simm.s32 $0x9;
	_ =	strace $0x80000048  }
0xb6: {  	_ =	swait.ge [sflag:s29], $0x1  }
0xb7: {  	[sflag:s29] =	ssyncadd.s32 $0xFFFFFFFF  }
0xb8: {  	_ =	strace $0x90000048  }
0xb9: {  	_ =	sfence  }
0xba: {  	s30 =	sld [smem:$0x0];
	_ =	sdelay $0x2  }
0xbb: {  	s31 =	sshll.u32 s1, $0xD;
	s1 =	sshrl.u32 s1, $0x2  }
0xbc: {  	s3 =	sand.u32 $0x4000, s31;
	s1 =	sadd.s32 s1, s30  }
0xbd: {  	s0 =	sor.u32 s3, s0;
	s1 =	sshll.u32 s1, $0x11  }
0xbe: {  	s0 =	sor.u32 s1, s0  }
0xbf: {  	s0 =	sadd.s32 $0x8F2B, s0  }
0xc0: {  	[sflag:s0] =	ssyncadd.remote.s32 $0x1  }
0xc1: {  	_ =	sfence.sel $0xFFFF  }
0xc2: {  	[dreg:$0x0] =	wrdreg $0xFFFFFFFF;
	(pc) =	sbr.abs _section_cstart, $3  }
0xc3: {  	[dreg:$0x1] =	wrdreg $0xFFFFFFFF  }
0xc4: {  	_ =	task.clear_ibuf [dreg:s9], $0x2FFFF;
	_ =	strace $0x9FFFFFFF  }
0xc5: {  	(tm) =	ssettm $0x7FFFFFFF  }
tec
execute0_lowered:
.L_overlay_start_1:
0x0: {  	(tag) =	ssettag $0x1  }
0x1: {  	s1 =	rddreg [dreg:$0x0]  }
0x2: {  	s3 =	rddreg [dreg:$0x1]  }
0x3: {  	s0 =	rddreg [dreg:$0x2];
	s2 =	simm.s32 $0x0  }
0x4: {  	s4 =	simm.s32 $0x1100;
	[smem:$0x7FF] =	sst s2  }
0x5: {  	s23 =	simm.s32 $0x1900;
	_ =	strace $0x80000047;
	[dreg:$0x4] =	wrdreg s4  }
0x6: {  	s24 =	simm.s32 $0x2100;
	[dreg:$0x5] =	wrdreg s23  }
0x7: {  	s25 =	simm.s32 $0x2900;
	[dreg:$0x6] =	wrdreg s24  }
0x8: {  	s26 =	simm.s32 $0x3100;
	[dreg:$0x7] =	wrdreg s25  }
0x9: {  	s5 =	simm.s32 $0x3900;
	[dreg:$0x8] =	wrdreg s26  }
0xa: {  	s6 =	simm.s32 $0x4100;
	[dreg:$0x9] =	wrdreg s5  }
0xb: {  	s7 =	simm.s32 $0x4900;
	[dreg:$0xa] =	wrdreg s6  }
0xc: {  	s8 =	simm.s32 $0x5100;
	[dreg:$0xb] =	wrdreg s7  }
0xd: {  	s9 =	simm.s32 $0x5900;
	[dreg:$0xc] =	wrdreg s8  }
0xe: {  	s10 =	simm.s32 $0x6100;
	[dreg:$0xd] =	wrdreg s9  }
0xf: {  	s11 =	simm.s32 $0x6900;
	[dreg:$0xe] =	wrdreg s10  }
0x10: {  	s12 =	simm.s32 $0x7100;
	[dreg:$0xf] =	wrdreg s11  }
0x11: {  	s13 =	simm.s32 $0x7900;
	[dreg:$0x10] =	wrdreg s12  }
0x12: {  	s14 =	simm.s32 $0x8100;
	[dreg:$0x11] =	wrdreg s13  }
0x13: {  	s15 =	simm.s32 $0x8900;
	[dreg:$0x12] =	wrdreg s14  }
0x14: {  	s16 =	simm.s32 $0x9100;
	[dreg:$0x13] =	wrdreg s15  }
0x15: {  	s17 =	simm.s32 $0x9900;
	s18 =	simm.s32 $0xA100;
	[dreg:$0x14] =	wrdreg s16  }
0x16: {  	s19 =	simm.s32 $0xA900;
	s20 =	simm.s32 $0xB100;
	[dreg:$0x15] =	wrdreg s17  }
0x17: {  	s22 =	simm.s32 $0xB900;
	s28 =	simm.s32 $0x15900;
	[dreg:$0x16] =	wrdreg s18  }
0x18: {  	s29 =	simm.s32 $0x16100;
	s30 =	simm.s32 $0x16900;
	[dreg:$0x17] =	wrdreg s19  }
0x19: {  	s31 =	simm.s32 $0x17100;
	s5 =	srdreg.scid;
	[dreg:$0x18] =	wrdreg s20  }
0x1a: {  	s8 =	stileid.u32;
	[dreg:$0x19] =	wrdreg s22;
	s23 =	simm.s32 $0xC100  }
0x1b: {  	s24 =	simm.s32 $0xC900;
	s26 =	simm.s32 $0xD100;
	s10 =	simm.s32 $0x900  }
0x1c: {  	s12 =	simm.s32 $0xE100;
	s13 =	simm.s32 $0xE900;
	s14 =	simm.s32 $0xF100  }
0x1d: {  	s15 =	simm.s32 $0xF900;
	s16 =	simm.s32 $0x10100;
	s17 =	simm.s32 $0x10900  }
0x1e: {  	s18 =	simm.s32 $0x11100;
	s19 =	simm.s32 $0x11900;
	s20 =	simm.s32 $0x12100  }
0x1f: {  	s22 =	simm.s32 $0x13100;
	s4 =	simm.s32 $0x1;
	[dreg:$0x1a] =	wrdreg s23  }
0x20: {  	s5 =	sand.u32 $0x1, s5;
	s8 =	sshll.u32 s8, $0x1;
	[dreg:$0x1b] =	wrdreg s24  }
0x21: {  	s9 =	simm.s32 $0x0;
	[dreg:$0x1c] =	wrdreg s26;
	s8 =	sor.u32 s5, s8  }
0x22: {  	s23 =	simm.s32 $0x13900;
	s6 =	ssub.s32 $0x2, s5;
	s5 =	smul.u32 $0x120, s8  }
0x23: {  	s24 =	simm.s32 $0x14100;
	s26 =	simm.s32 $0x15100;
	s21 =	smul.u32 $0x36000, s8  }
0x24: {  	s7 =	sshrl.u32 s6, $0x1;
	s8 =	simm.s32 $0x2;
	s3 =	sadd.s32 s3, s5  }
0x25: {  	s7 =	ssub.s32 s6, s7;
	s0 =	sadd.s32 s0, s21;
	[dreg:$0x1d] =	wrdreg s3  }
0x26: {  	v2 =	vlaneseq.u32;
	s6 =	sadd.s32 $0x200, s1;
	s25 =	smax.u32 s7, $0x1;
	[dreg:$0x1e] =	wrdreg s0  }
0x27: {  	vm0 =	vmmov $0xffff;
	v1 =	vshrl.u32 v2, $0x3;
	s5 =	sadd.s32 $0x100, s1;
	s21 =	simm.s32 $0x12900;
	[dreg:$0x1f] =	wrdreg s25  }
0x28: {  	v0 =	vand.u32 $0x7, v2;
	v2 =	vor.u32 $0x8, v2;
	v1 =	vmul.u32 $0x8, v1;
	s25 =	simm.s32 $0x14900;
	s0 =	simm.s32 $0x17900;
	s3 =	simm.s32 $0x18100  }
.LBB2_1:
0x29: {  	[smem:$0x7FD] =	sst s9  }
0x2a: {  	s7 =	rddreg [dreg:$0x1d]  }
0x2b: {  	[tilespmem:s2], [sflag:$0x2] =	stream.linear.gather [hbm4b:s7+s2], $0x900, $0x38;
	[tilespmem:$0x18900] =	vst v63  }
0x2c: {  	_ =	swait.ge [sflag:s8], $0x900  }
0x2d: {  	[sflag:s8] =	ssyncset.done $0x0  }
0x2e: {  	[sflag:s8] =	ssyncadd.s32 $0xFFFFF700;
	s8 =	simm.s32 $0x1C0  }
.LBB2_2:
0x2f: {  	s9 =	sshra.s32 s8, $0x2  }
0x30: {  	v3 =	vld [tilespmem:s9+$0xFFFFFF90];
	_ =	sdelay $0x4  }
0x31: {  	v4 =	vshrl.u32 v3, $0x3  }
0x32: {  	v4 =	vmul.u32 $0x30, v4  }
0x33: {  	v3 =	vand.u32 $0x7, v3  }
0x34: {  	v3 =	vor.u32 v3, v4  }
0x35: {  	v4 =	vperm.xlane v3, v0;
	_ =	sdelay $0x1  }
0x36: {  	v4 =	vadd.s32 v1, v4;
	_ =	sdelay $0x3  }
0x37: {  	v3 =	vperm.xlane v3, v2  }
0x38: {  	[tilespmem:s10], [sflag:$0x1] =	stream.indirect_vreg.gather [hbm4b:s1+s2], $0x80, v4, vm0, $0xb8;
	[tilespmem:$0x18900] =	vst v63  }
0x39: {  	s7 =	rddreg [dreg:$0x4];
	v3 =	vadd.s32 v1, v3  }
0x3a: {  	[tilespmem:s7], [sflag:$0x1] =	stream.indirect_vreg.gather [hbm4b:s5+s2], $0x80, v4, vm0, $0xb8;
	[tilespmem:$0x18900] =	vst v63  }
0x3b: {  	s11 =	rddreg [dreg:$0x5]  }
0x3c: {  	[tilespmem:s11], [sflag:$0x1] =	stream.indirect_vreg.gather [hbm4b:s6+s2], $0x80, v4, vm0, $0xb8;
	[tilespmem:$0x18900] =	vst v63  }
0x3d: {  	s7 =	rddreg [dreg:$0x6]  }
0x3e: {  	[tilespmem:s7], [sflag:$0x1] =	stream.indirect_vreg.gather [hbm4b:s1+s2], $0x80, v3, vm0, $0xb8;
	[tilespmem:$0x18900] =	vst v63  }
0x3f: {  	s11 =	rddreg [dreg:$0x7]  }
0x40: {  	[tilespmem:s11], [sflag:$0x1] =	stream.indirect_vreg.gather [hbm4b:s5+s2], $0x80, v3, vm0, $0xb8;
	[tilespmem:$0x18900] =	vst v63  }
0x41: {  	s7 =	rddreg [dreg:$0x8]  }
0x42: {  	[tilespmem:s7], [sflag:$0x1] =	stream.indirect_vreg.gather [hbm4b:s6+s2], $0x80, v3, vm0, $0xb8;
	[tilespmem:$0x18900] =	vst v63  }
0x43: {  	v3 =	vld [tilespmem:s9+$0xFFFFFFA0];
	_ =	sdelay $0x4  }
0x44: {  	v57 =	vshrl.u32 v3, $0x3  }
0x45: {  	v4 =	vmul.u32 $0x30, v57  }
0x46: {  	v3 =	vand.u32 $0x7, v3  }
0x47: {  	v3 =	vor.u32 v3, v4  }
0x48: {  	v4 =	vperm.xlane v3, v0;
	_ =	sdelay $0x1  }
0x49: {  	v4 =	vadd.s32 v1, v4;
	_ =	sdelay $0x3  }
0x4a: {  	s7 =	rddreg [dreg:$0x9];
	v3 =	vperm.xlane v3, v2  }
0x4b: {  	[tilespmem:s7], [sflag:$0x1] =	stream.indirect_vreg.gather [hbm4b:s1+s2], $0x80, v4, vm0, $0xb8;
	[tilespmem:$0x18900] =	vst v63  }
0x4c: {  	s11 =	rddreg [dreg:$0xa];
	v3 =	vadd.s32 v1, v3  }
0x4d: {  	[tilespmem:s11], [sflag:$0x1] =	stream.indirect_vreg.gather [hbm4b:s5+s2], $0x80, v4, vm0, $0xb8;
	[tilespmem:$0x18900] =	vst v63  }
0x4e: {  	s7 =	rddreg [dreg:$0xb]  }
0x4f: {  	[tilespmem:s7], [sflag:$0x1] =	stream.indirect_vreg.gather [hbm4b:s6+s2], $0x80, v4, vm0, $0xb8;
	[tilespmem:$0x18900] =	vst v63  }
0x50: {  	s11 =	rddreg [dreg:$0xc]  }
0x51: {  	[tilespmem:s11], [sflag:$0x1] =	stream.indirect_vreg.gather [hbm4b:s1+s2], $0x80, v3, vm0, $0xb8;
	[tilespmem:$0x18900] =	vst v63  }
0x52: {  	s7 =	rddreg [dreg:$0xd]  }
0x53: {  	[tilespmem:s7], [sflag:$0x1] =	stream.indirect_vreg.gather [hbm4b:s5+s2], $0x80, v3, vm0, $0xb8;
	[tilespmem:$0x18900] =	vst v63  }
0x54: {  	s11 =	rddreg [dreg:$0xe]  }
0x55: {  	[tilespmem:s11], [sflag:$0x1] =	stream.indirect_vreg.gather [hbm4b:s6+s2], $0x80, v3, vm0, $0xb8;
	[tilespmem:$0x18900] =	vst v63  }
0x56: {  	v3 =	vld [tilespmem:s9+$0xFFFFFFB0];
	_ =	sdelay $0x4  }
0x57: {  	v58 =	vshrl.u32 v3, $0x3  }
0x58: {  	v4 =	vmul.u32 $0x30, v58  }
0x59: {  	v3 =	vand.u32 $0x7, v3  }
0x5a: {  	v3 =	vor.u32 v3, v4  }
0x5b: {  	v4 =	vperm.xlane v3, v0;
	_ =	sdelay $0x1  }
0x5c: {  	v4 =	vadd.s32 v1, v4;
	_ =	sdelay $0x3  }
0x5d: {  	s7 =	rddreg [dreg:$0xf];
	v3 =	vperm.xlane v3, v2  }
0x5e: {  	[tilespmem:s7], [sflag:$0x1] =	stream.indirect_vreg.gather [hbm4b:s1+s2], $0x80, v4, vm0, $0xb8;
	[tilespmem:$0x18900] =	vst v63  }
0x5f: {  	s11 =	rddreg [dreg:$0x10];
	v3 =	vadd.s32 v1, v3  }
0x60: {  	[tilespmem:s11], [sflag:$0x1] =	stream.indirect_vreg.gather [hbm4b:s5+s2], $0x80, v4, vm0, $0xb8;
	[tilespmem:$0x18900] =	vst v63  }
0x61: {  	s7 =	rddreg [dreg:$0x11]  }
0x62: {  	[tilespmem:s7], [sflag:$0x1] =	stream.indirect_vreg.gather [hbm4b:s6+s2], $0x80, v4, vm0, $0xb8;
	[tilespmem:$0x18900] =	vst v63  }
0x63: {  	s11 =	rddreg [dreg:$0x12]  }
0x64: {  	[tilespmem:s11], [sflag:$0x1] =	stream.indirect_vreg.gather [hbm4b:s1+s2], $0x80, v3, vm0, $0xb8;
	[tilespmem:$0x18900] =	vst v63  }
0x65: {  	s7 =	rddreg [dreg:$0x13]  }
0x66: {  	[tilespmem:s7], [sflag:$0x1] =	stream.indirect_vreg.gather [hbm4b:s5+s2], $0x80, v3, vm0, $0xb8;
	[tilespmem:$0x18900] =	vst v63  }
0x67: {  	s11 =	rddreg [dreg:$0x14]  }
0x68: {  	[tilespmem:s11], [sflag:$0x1] =	stream.indirect_vreg.gather [hbm4b:s6+s2], $0x80, v3, vm0, $0xb8;
	[tilespmem:$0x18900] =	vst v63  }
0x69: {  	v3 =	vld [tilespmem:s9+$0xFFFFFFC0];
	_ =	sdelay $0x4  }
0x6a: {  	v59 =	vshrl.u32 v3, $0x3  }
0x6b: {  	v4 =	vmul.u32 $0x30, v59  }
0x6c: {  	v3 =	vand.u32 $0x7, v3  }
0x6d: {  	v3 =	vor.u32 v3, v4  }
0x6e: {  	v4 =	vperm.xlane v3, v0;
	_ =	sdelay $0x1  }
0x6f: {  	v4 =	vadd.s32 v1, v4;
	_ =	sdelay $0x3  }
0x70: {  	s7 =	rddreg [dreg:$0x15];
	v3 =	vperm.xlane v3, v2  }
0x71: {  	[tilespmem:s7], [sflag:$0x1] =	stream.indirect_vreg.gather [hbm4b:s1+s2], $0x80, v4, vm0, $0xb8;
	[tilespmem:$0x18900] =	vst v63  }
0x72: {  	s11 =	rddreg [dreg:$0x16];
	v3 =	vadd.s32 v1, v3  }
0x73: {  	[tilespmem:s11], [sflag:$0x1] =	stream.indirect_vreg.gather [hbm4b:s5+s2], $0x80, v4, vm0, $0xb8;
	[tilespmem:$0x18900] =	vst v63  }
0x74: {  	s7 =	rddreg [dreg:$0x17]  }
0x75: {  	[tilespmem:s7], [sflag:$0x1] =	stream.indirect_vreg.gather [hbm4b:s6+s2], $0x80, v4, vm0, $0xb8;
	[tilespmem:$0x18900] =	vst v63  }
0x76: {  	s11 =	rddreg [dreg:$0x18]  }
0x77: {  	[tilespmem:s11], [sflag:$0x1] =	stream.indirect_vreg.gather [hbm4b:s1+s2], $0x80, v3, vm0, $0xb8;
	[tilespmem:$0x18900] =	vst v63  }
0x78: {  	s7 =	rddreg [dreg:$0x19]  }
0x79: {  	[tilespmem:s7], [sflag:$0x1] =	stream.indirect_vreg.gather [hbm4b:s5+s2], $0x80, v3, vm0, $0xb8;
	[tilespmem:$0x18900] =	vst v63  }
0x7a: {  	s11 =	rddreg [dreg:$0x1a]  }
0x7b: {  	[tilespmem:s11], [sflag:$0x1] =	stream.indirect_vreg.gather [hbm4b:s6+s2], $0x80, v3, vm0, $0xb8;
	[tilespmem:$0x18900] =	vst v63  }
0x7c: {  	v3 =	vld [tilespmem:s9+$0xFFFFFFD0];
	_ =	sdelay $0x4  }
0x7d: {  	v60 =	vshrl.u32 v3, $0x3  }
0x7e: {  	v4 =	vmul.u32 $0x30, v60  }
0x7f: {  	v3 =	vand.u32 $0x7, v3  }
0x80: {  	v3 =	vor.u32 v3, v4  }
0x81: {  	v4 =	vperm.xlane v3, v0;
	_ =	sdelay $0x1  }
0x82: {  	v4 =	vadd.s32 v1, v4;
	_ =	sdelay $0x3  }
0x83: {  	s7 =	rddreg [dreg:$0x1b];
	v3 =	vperm.xlane v3, v2  }
0x84: {  	[tilespmem:s7], [sflag:$0x1] =	stream.indirect_vreg.gather [hbm4b:s1+s2], $0x80, v4, vm0, $0xb8;
	[tilespmem:$0x18900] =	vst v63  }
0x85: {  	s11 =	rddreg [dreg:$0x1c];
	v3 =	vadd.s32 v1, v3  }
0x86: {  	[tilespmem:s11], [sflag:$0x1] =	stream.indirect_vreg.gather [hbm4b:s5+s2], $0x80, v4, vm0, $0xb8;
	[tilespmem:$0x18900] =	vst v63  }
0x87: {  	s11 =	simm.s32 $0xD900  }
0x88: {  	[tilespmem:s11], [sflag:$0x1] =	stream.indirect_vreg.gather [hbm4b:s6+s2], $0x80, v4, vm0, $0xb8;
	[tilespmem:$0x18900] =	vst v63  }
0x89: {  	_ = 	snop  }
0x8a: {  	[tilespmem:s12], [sflag:$0x1] =	stream.indirect_vreg.gather [hbm4b:s1+s2], $0x80, v3, vm0, $0xb8;
	[tilespmem:$0x18900] =	vst v63  }
0x8b: {  	_ = 	snop  }
0x8c: {  	[tilespmem:s13], [sflag:$0x1] =	stream.indirect_vreg.gather [hbm4b:s5+s2], $0x80, v3, vm0, $0xb8;
	[tilespmem:$0x18900] =	vst v63  }
0x8d: {  	_ = 	snop  }
0x8e: {  	[tilespmem:s14], [sflag:$0x1] =	stream.indirect_vreg.gather [hbm4b:s6+s2], $0x80, v3, vm0, $0xb8;
	[tilespmem:$0x18900] =	vst v63  }
0x8f: {  	v3 =	vld [tilespmem:s9+$0xFFFFFFE0];
	_ =	sdelay $0x4  }
0x90: {  	v61 =	vshrl.u32 v3, $0x3  }
0x91: {  	v4 =	vmul.u32 $0x30, v61  }
0x92: {  	v3 =	vand.u32 $0x7, v3  }
0x93: {  	v3 =	vor.u32 v3, v4  }
0x94: {  	v4 =	vperm.xlane v3, v0;
	_ =	sdelay $0x1  }
0x95: {  	v4 =	vadd.s32 v1, v4;
	_ =	sdelay $0x3  }
0x96: {  	v3 =	vperm.xlane v3, v2  }
0x97: {  	[tilespmem:s15], [sflag:$0x1] =	stream.indirect_vreg.gather [hbm4b:s1+s2], $0x80, v4, vm0, $0xb8;
	[tilespmem:$0x18900] =	vst v63  }
0x98: {  	v3 =	vadd.s32 v1, v3  }
0x99: {  	[tilespmem:s16], [sflag:$0x1] =	stream.indirect_vreg.gather [hbm4b:s5+s2], $0x80, v4, vm0, $0xb8;
	[tilespmem:$0x18900] =	vst v63  }
0x9a: {  	_ = 	snop  }
0x9b: {  	[tilespmem:s17], [sflag:$0x1] =	stream.indirect_vreg.gather [hbm4b:s6+s2], $0x80, v4, vm0, $0xb8;
	[tilespmem:$0x18900] =	vst v63  }
0x9c: {  	_ = 	snop  }
0x9d: {  	[tilespmem:s18], [sflag:$0x1] =	stream.indirect_vreg.gather [hbm4b:s1+s2], $0x80, v3, vm0, $0xb8;
	[tilespmem:$0x18900] =	vst v63  }
0x9e: {  	_ = 	snop  }
0x9f: {  	[tilespmem:s19], [sflag:$0x1] =	stream.indirect_vreg.gather [hbm4b:s5+s2], $0x80, v3, vm0, $0xb8;
	[tilespmem:$0x18900] =	vst v63  }
0xa0: {  	_ = 	snop  }
0xa1: {  	[tilespmem:s20], [sflag:$0x1] =	stream.indirect_vreg.gather [hbm4b:s6+s2], $0x80, v3, vm0, $0xb8;
	[tilespmem:$0x18900] =	vst v63  }
0xa2: {  	v3 =	vld [tilespmem:s9+$0xFFFFFFF0];
	_ =	sdelay $0x4  }
0xa3: {  	v62 =	vshrl.u32 v3, $0x3  }
0xa4: {  	v4 =	vmul.u32 $0x30, v62  }
0xa5: {  	v3 =	vand.u32 $0x7, v3  }
0xa6: {  	v3 =	vor.u32 v3, v4  }
0xa7: {  	v4 =	vperm.xlane v3, v0;
	_ =	sdelay $0x1  }
0xa8: {  	v4 =	vadd.s32 v1, v4;
	_ =	sdelay $0x3  }
0xa9: {  	v3 =	vperm.xlane v3, v2  }
0xaa: {  	[tilespmem:s21], [sflag:$0x1] =	stream.indirect_vreg.gather [hbm4b:s1+s2], $0x80, v4, vm0, $0xb8;
	[tilespmem:$0x18900] =	vst v63  }
0xab: {  	v3 =	vadd.s32 v1, v3  }
0xac: {  	[tilespmem:s22], [sflag:$0x1] =	stream.indirect_vreg.gather [hbm4b:s5+s2], $0x80, v4, vm0, $0xb8;
	[tilespmem:$0x18900] =	vst v63  }
0xad: {  	_ = 	snop  }
0xae: {  	[tilespmem:s23], [sflag:$0x1] =	stream.indirect_vreg.gather [hbm4b:s6+s2], $0x80, v4, vm0, $0xb8;
	[tilespmem:$0x18900] =	vst v63  }
0xaf: {  	_ = 	snop  }
0xb0: {  	[tilespmem:s24], [sflag:$0x1] =	stream.indirect_vreg.gather [hbm4b:s1+s2], $0x80, v3, vm0, $0xb8;
	[tilespmem:$0x18900] =	vst v63  }
0xb1: {  	_ = 	snop  }
0xb2: {  	[tilespmem:s25], [sflag:$0x1] =	stream.indirect_vreg.gather [hbm4b:s5+s2], $0x80, v3, vm0, $0xb8;
	[tilespmem:$0x18900] =	vst v63  }
0xb3: {  	_ = 	snop  }
0xb4: {  	[tilespmem:s26], [sflag:$0x1] =	stream.indirect_vreg.gather [hbm4b:s6+s2], $0x80, v3, vm0, $0xb8;
	[tilespmem:$0x18900] =	vst v63  }
0xb5: {  	v3 =	vld [tilespmem:s9+$0x0];
	_ =	sdelay $0x4  }
0xb6: {  	v63 =	vshrl.u32 v3, $0x3  }
0xb7: {  	v4 =	vmul.u32 $0x30, v63  }
0xb8: {  	v3 =	vand.u32 $0x7, v3  }
0xb9: {  	v3 =	vor.u32 v3, v4  }
0xba: {  	v4 =	vperm.xlane v3, v0;
	_ =	sdelay $0x1  }
0xbb: {  	v4 =	vadd.s32 v1, v4;
	_ =	sdelay $0x3  }
0xbc: {  	v3 =	vperm.xlane v3, v2  }
0xbd: {  	[tilespmem:s28], [sflag:$0x1] =	stream.indirect_vreg.gather [hbm4b:s1+s2], $0x80, v4, vm0, $0xb8;
	[tilespmem:$0x18900] =	vst v63  }
0xbe: {  	v3 =	vadd.s32 v1, v3  }
0xbf: {  	[tilespmem:s29], [sflag:$0x1] =	stream.indirect_vreg.gather [hbm4b:s5+s2], $0x80, v4, vm0, $0xb8;
	[tilespmem:$0x18900] =	vst v63  }
0xc0: {  	_ = 	snop  }
0xc1: {  	[tilespmem:s30], [sflag:$0x1] =	stream.indirect_vreg.gather [hbm4b:s6+s2], $0x80, v4, vm0, $0xb8;
	[tilespmem:$0x18900] =	vst v63  }
0xc2: {  	_ = 	snop  }
0xc3: {  	[tilespmem:s31], [sflag:$0x1] =	stream.indirect_vreg.gather [hbm4b:s1+s2], $0x80, v3, vm0, $0xb8;
	[tilespmem:$0x18900] =	vst v63  }
0xc4: {  	_ = 	snop  }
0xc5: {  	[tilespmem:s0], [sflag:$0x1] =	stream.indirect_vreg.gather [hbm4b:s5+s2], $0x80, v3, vm0, $0xb8;
	[tilespmem:$0x18900] =	vst v63  }
0xc6: {  	_ = 	snop  }
0xc7: {  	[tilespmem:s3], [sflag:$0x1] =	stream.indirect_vreg.gather [hbm4b:s6+s2], $0x80, v3, vm0, $0xb8;
	[tilespmem:$0x18900] =	vst v63  }
0xc8: {  	p0 =	sne.s32 s8, $0x23C0;
	_ =	swait.ge [sflag:s4], $0xC000  }
.Ltmp0:
0xc9: {  	[sflag:s4] =	ssyncset.done $0x0;
	(pc) =	sbr.rel @p0 .LBB2_2-.Ltmp0, $4  }
0xca: {  	[sflag:s4] =	ssyncadd.s32 $0xFFFF4000  }
0xcb: {  	_ =	swait.ge [sflag:s4], $0xC000  }
0xcc: {  	[sflag:s4] =	ssyncset.done $0x0  }
0xcd: {  	s8 =	sadd.s32 $0x200, s8;
	[sflag:s4] =	ssyncadd.s32 $0xFFFF4000  }
0xce: {  	s7 =	rddreg [dreg:$0x1e];
	s8 =	simm.s32 $0x2  }
0xcf: {  	[hbm4b:s7+s2] =	stream.linear.scatter [tilespmem:s10], [sflag:$0x2], $0xC000, $0x38;
	[tilespmem:$0x18900] =	vst v63  }
0xd0: {  	_ =	swait.ge [sflag:s8], $0xC000  }
0xd1: {  	s9 =	sld [smem:$0x7FD];
	_ =	sdelay $0x2  }
0xd2: {  	s11 =	rddreg [dreg:$0x1f];
	s9 =	sadd.s32 $0x1, s9  }
0xd3: {  	p0 =	sne.s32 s9, s11  }
.Ltmp1:
0xd4: {  	_ = 	snop;
	(pc) =	sbr.rel @p0 .LBB2_1-.Ltmp1, $3  }
0xd5: {  	_ =	sdelay $0x1  }
0xd6: {  	[sflag:s8] =	ssyncset.done $0x0  }
0xd7: {  	[sflag:s8] =	ssyncadd.s32 $0xFFFF4000  }
0xd8: {  	_ =	sfence.sel $0x180000  }
0xd9: {  	[bflag:$0x0] =	sbarrier.arrive $0xFFFF  }
0xda: {  	_ =	strace $0x90000047  }
0xdb: {  	s0 =	stileid.u32;
	[bflag:$0x2] =	sbarrier.arrive $0xFFFF  }
0xdc: {  	p0 =	sne.s32 s0, $0x0;
	s0 =	rddreg [dreg:$0x3]  }
0xdd: {  	s0 =	sadd.s32 @!p0 $0x100000, s0  }
0xde: {  	[sflag:s0] =	ssyncadd.tile.s32 @!p0 $0x1;
	_ =	shalt  }
.Lfunc_end2:
_tile_overlayer_lowered:
.L_overlay_start_2:
0xdf: {  	(tag) =	ssettag $0x2  }
0xe0: {  	s0 =	rddreg [dreg:$0x0];
	s2 =	stileid.u32  }
0xe1: {  	s1 =	rddreg [dreg:$0x1];
	p0 =	sne.s32 s2, $0x0  }
0xe2: {  	s3 =	rddreg [dreg:$0x2];
	[bflag:$0x3] =	sbarrier.arrive $0xFFFF;
	s2 =	simm.s32 @!p0 $0x1C02  }
0xe3: {  	[timem:s3], [sflag:s2] =	dma.local @!p0 [hbm:s0], s1  }
0xe4: {  	s0 =	simm.s32 @!p0 $0x2  }
0xe5: {  	_ =	swait.ge @!p0 [sflag:s0], s1  }
0xe6: {  	s1 =	ssub.s32 @!p0 $0x0, s1;
	[sflag:s0] =	ssyncset.done @!p0 $0x0  }
0xe7: {  	[sflag:s0] =	ssyncadd.s32 @!p0 s1  }
0xe8: {  	[bflag:$0x3] =	sbarrier.arrive $0xFFFF  }
0xe9: {  	_ =	shalt  }

</sc_bundles>
